<compile_context>
chip_gen: v7x
topology: tpu7x:2x2x1
jax: 0.10.2.dev20260603
libtpu: 0.0.44.dev20260713+nightly
codegen_flags: <defaults>
</compile_context>

<pallas_src>
import functools

import jax
import jax.numpy as jnp
from jax import lax
from jax.experimental import pallas as pl
from jax.experimental.pallas import tpu as pltpu
from jax.experimental.pallas import tpu_sc as plsc

_L = 16
_N = 64
_ROW = 1024
_DIM = 0


def _scatter_body(bt_hbm, x_hbm, y_hbm, b_hbm, x_v, y_v, idx_v, val_v, bt_v, sem):
    cid = lax.axis_index("c")
    sid = lax.axis_index("s")

    @pl.when(jnp.logical_and(cid == 0, sid == 0))
    def _():
        pltpu.sync_copy(x_hbm, x_v)
        pltpu.sync_copy(y_hbm, y_v)
        pltpu.sync_copy(bt_hbm, bt_v)
        for j in range(_N // _L):
            s = pl.ds(j * _L, _L)
            idx_v[s] = x_v[s] * _ROW + y_v[s]
        pltpu.async_copy(b_hbm.at[idx_v], val_v, sem).wait()
        for j in range(_N // _L):
            s = pl.ds(j * _L, _L)
            val_v[s] = val_v[s] + bt_v[s]
        pltpu.async_copy(val_v, b_hbm.at[idx_v], sem).wait()


_scatter = pl.kernel(
    _scatter_body,
    out_type=(),
    mesh=plsc.VectorSubcoreMesh(core_axis_name="c", subcore_axis_name="s"),
    scratch_types=[
        pltpu.VMEM((_N,), jnp.int32),
        pltpu.VMEM((_N,), jnp.int32),
        pltpu.VMEM((_N,), jnp.int32),
        pltpu.VMEM((_N,), jnp.float32),
        pltpu.VMEM((_N,), jnp.float32),
        pltpu.SemaphoreType.DMA,
    ],
)


def kernel(B, Bt, x, y):
    shape = B.shape
    b_ref = jax.new_ref(B.reshape(-1))
    _scatter(Bt, x + jnp.int32(_DIM * shape[1]), y, b_ref)
    return b_ref[...].reshape(shape)

# --- scband reference (transcript-rebuilt; emitter-appended) ---
"""Pipeline reference for scband-wave-source-47854525612532 (READ-ONLY COPY).

The authoritative reference and input builder live on the scoring server;
editing this copy changes nothing except your own understanding.
"""

import jax, jax.numpy as jnp
import numpy as np

DIM = 0

def setup_inputs(seed: int = 0) -> dict:
    key = jax.random.key(seed)
    k1, k2 = jax.random.split(key)
    B = jax.random.normal(k1, (4, 1024, 1024), dtype=jnp.float32)
    Bt = jax.random.normal(k2, (64,), dtype=jnp.float32)
    x = jnp.arange(480, 608, 2, dtype=jnp.int32)  # 64 source x-coords
    y = jnp.full((64,), 512, dtype=jnp.int32)     # 64 source y-coords
    return {"B": B, "Bt": Bt, "x": x, "y": y}

def reference(B, Bt, x, y):
    # B = B.clone(); B[dim, x, y] = B[dim, x, y] + Bt
    # torch advanced-index assignment with duplicate-free indices == scatter add here
    return B.at[DIM, x, y].add(Bt)

if __name__ == "__main__":
    import jax
    _d = setup_inputs()
    print(jax.jit(kernel)(*tuple(_d.values())))

</pallas_src>

<mosaic_0001>
#map = affine_map<(d0, d1) -> (0)>
module attributes {stable_mosaic.version = 14 : i64} {
  func.func @new_body(%arg0: i32, %arg1: i32, %arg2: memref<64xf32, #tpu.memory_space<hbm>>, %arg3: memref<64xi32, #tpu.memory_space<hbm>>, %arg4: memref<64xi32, #tpu.memory_space<hbm>>, %arg5: memref<4194304xf32, #tpu.memory_space<hbm>>, %arg6: memref<4194304xf32, #tpu.memory_space<hbm>>, %arg7: memref<64xi32, #tpu.memory_space<vmem>>, %arg8: memref<64xi32, #tpu.memory_space<vmem>>, %arg9: memref<64xi32, #tpu.memory_space<vmem>>, %arg10: memref<64xf32, #tpu.memory_space<vmem>>, %arg11: memref<64xf32, #tpu.memory_space<vmem>>, %arg12: memref<!tpu.dma_semaphore, #tpu.memory_space<semaphore_mem>>) attributes {dimension_semantics = [#tpu.dimension_semantics<core_parallel>, #tpu.dimension_semantics<subcore_parallel>], iteration_bounds = array<i64: 2, 16>, scalar_prefetch = 0 : i64, scratch_operands = 6 : i64, tpu.core_type = #tpu.core_type<sc_vector_subcore>, window_params = [{transform_indices = #map}, {transform_indices = #map}, {transform_indices = #map}, {transform_indices = #map}, {transform_indices = #map}]} {
    %eq3A = arith.constant 0 : i32
    %eq3A_0 = arith.cmpi eq, %arg0, %eq3A : i32
    %eq3A_1 = arith.constant 0 : i32
    %eq3A_2 = arith.cmpi eq, %arg1, %eq3A_1 : i32
    %and3A = arith.andi %eq3A_0, %eq3A_2 : i1
    %convert_element_type3A = arith.extui %and3A : i1 to i32
    %cond3A = arith.constant 0 : i32
    %cond3A_3 = arith.cmpi ne, %convert_element_type3A, %cond3A : i32
    scf.if %cond3A_3 {
      "tpu.region"() ({
        %run_scoped3A = tpu.sem_alloc : memref<!tpu.dma_semaphore, #tpu.memory_space<semaphore_mem>>
        tpu.enqueue_dma source(%arg3 : memref<64xi32, #tpu.memory_space<hbm>>) target(%arg7 : memref<64xi32, #tpu.memory_space<vmem>>) target_semaphore(%run_scoped3A : memref<!tpu.dma_semaphore, #tpu.memory_space<semaphore_mem>>)
        tpu.wait_dma2 semaphore(%run_scoped3A : memref<!tpu.dma_semaphore, #tpu.memory_space<semaphore_mem>>) src(%arg3 : memref<64xi32, #tpu.memory_space<hbm>>) dst(%arg7 : memref<64xi32, #tpu.memory_space<vmem>>)
        tpu.yield
      }) : () -> ()
      "tpu.region"() ({
        %run_scoped3A = tpu.sem_alloc : memref<!tpu.dma_semaphore, #tpu.memory_space<semaphore_mem>>
        tpu.enqueue_dma source(%arg4 : memref<64xi32, #tpu.memory_space<hbm>>) target(%arg8 : memref<64xi32, #tpu.memory_space<vmem>>) target_semaphore(%run_scoped3A : memref<!tpu.dma_semaphore, #tpu.memory_space<semaphore_mem>>)
        tpu.wait_dma2 semaphore(%run_scoped3A : memref<!tpu.dma_semaphore, #tpu.memory_space<semaphore_mem>>) src(%arg4 : memref<64xi32, #tpu.memory_space<hbm>>) dst(%arg8 : memref<64xi32, #tpu.memory_space<vmem>>)
        tpu.yield
      }) : () -> ()
      "tpu.region"() ({
        %run_scoped3A = tpu.sem_alloc : memref<!tpu.dma_semaphore, #tpu.memory_space<semaphore_mem>>
        tpu.enqueue_dma source(%arg2 : memref<64xf32, #tpu.memory_space<hbm>>) target(%arg11 : memref<64xf32, #tpu.memory_space<vmem>>) target_semaphore(%run_scoped3A : memref<!tpu.dma_semaphore, #tpu.memory_space<semaphore_mem>>)
        tpu.wait_dma2 semaphore(%run_scoped3A : memref<!tpu.dma_semaphore, #tpu.memory_space<semaphore_mem>>) src(%arg2 : memref<64xf32, #tpu.memory_space<hbm>>) dst(%arg11 : memref<64xf32, #tpu.memory_space<vmem>>)
        tpu.yield
      }) : () -> ()
      %get3A = arith.constant 0 : index
      %get3A_4 = tpu.vector_load %arg7[%get3A] {strides = array<i32>} : memref<64xi32, #tpu.memory_space<vmem>>, vector<16xi32>,
      %get3A_5 = vector.shape_cast %get3A_4 : vector<16xi32> to vector<16xi32>
      %mul3A = arith.constant 1024 : i32
      %mul3A_6 = vector.broadcast %mul3A : i32 to vector<16xi32>
      %mul3A_7 = arith.muli %get3A_5, %mul3A_6 : vector<16xi32>
      %get3A_8 = arith.constant 0 : index
      %get3A_9 = tpu.vector_load %arg8[%get3A_8] {strides = array<i32>} : memref<64xi32, #tpu.memory_space<vmem>>, vector<16xi32>,
      %get3A_10 = vector.shape_cast %get3A_9 : vector<16xi32> to vector<16xi32>
      %add3A = arith.addi %mul3A_7, %get3A_10 : vector<16xi32>
      %swap3A = arith.constant 0 : index
      %swap3A_11 = tpu.vector_load %arg9[%swap3A] {strides = array<i32>} : memref<64xi32, #tpu.memory_space<vmem>>, vector<16xi32>,
      %swap3A_12 = vector.shape_cast %swap3A_11 : vector<16xi32> to vector<16xi32>
      %swap3A_13 = vector.shape_cast %add3A : vector<16xi32> to vector<16xi32>
      tpu.vector_store %arg9[%swap3A], %swap3A_13 {strides = array<i32>} : memref<64xi32, #tpu.memory_space<vmem>>, vector<16xi32>,
      %get3A_14 = arith.constant 16 : index
      %get3A_15 = tpu.vector_load %arg7[%get3A_14] {strides = array<i32>} : memref<64xi32, #tpu.memory_space<vmem>>, vector<16xi32>,
      %get3A_16 = vector.shape_cast %get3A_15 : vector<16xi32> to vector<16xi32>
      %mul3A_17 = arith.constant 1024 : i32
      %mul3A_18 = vector.broadcast %mul3A_17 : i32 to vector<16xi32>
      %mul3A_19 = arith.muli %get3A_16, %mul3A_18 : vector<16xi32>
      %get3A_20 = arith.constant 16 : index
      %get3A_21 = tpu.vector_load %arg8[%get3A_20] {strides = array<i32>} : memref<64xi32, #tpu.memory_space<vmem>>, vector<16xi32>,
      %get3A_22 = vector.shape_cast %get3A_21 : vector<16xi32> to vector<16xi32>
      %add3A_23 = arith.addi %mul3A_19, %get3A_22 : vector<16xi32>
      %swap3A_24 = arith.constant 16 : index
      %swap3A_25 = tpu.vector_load %arg9[%swap3A_24] {strides = array<i32>} : memref<64xi32, #tpu.memory_space<vmem>>, vector<16xi32>,
      %swap3A_26 = vector.shape_cast %swap3A_25 : vector<16xi32> to vector<16xi32>
      %swap3A_27 = vector.shape_cast %add3A_23 : vector<16xi32> to vector<16xi32>
      tpu.vector_store %arg9[%swap3A_24], %swap3A_27 {strides = array<i32>} : memref<64xi32, #tpu.memory_space<vmem>>, vector<16xi32>,
      %get3A_28 = arith.constant 32 : index
      %get3A_29 = tpu.vector_load %arg7[%get3A_28] {strides = array<i32>} : memref<64xi32, #tpu.memory_space<vmem>>, vector<16xi32>,
      %get3A_30 = vector.shape_cast %get3A_29 : vector<16xi32> to vector<16xi32>
      %mul3A_31 = arith.constant 1024 : i32
      %mul3A_32 = vector.broadcast %mul3A_31 : i32 to vector<16xi32>
      %mul3A_33 = arith.muli %get3A_30, %mul3A_32 : vector<16xi32>
      %get3A_34 = arith.constant 32 : index
      %get3A_35 = tpu.vector_load %arg8[%get3A_34] {strides = array<i32>} : memref<64xi32, #tpu.memory_space<vmem>>, vector<16xi32>,
      %get3A_36 = vector.shape_cast %get3A_35 : vector<16xi32> to vector<16xi32>
      %add3A_37 = arith.addi %mul3A_33, %get3A_36 : vector<16xi32>
      %swap3A_38 = arith.constant 32 : index
      %swap3A_39 = tpu.vector_load %arg9[%swap3A_38] {strides = array<i32>} : memref<64xi32, #tpu.memory_space<vmem>>, vector<16xi32>,
      %swap3A_40 = vector.shape_cast %swap3A_39 : vector<16xi32> to vector<16xi32>
      %swap3A_41 = vector.shape_cast %add3A_37 : vector<16xi32> to vector<16xi32>
      tpu.vector_store %arg9[%swap3A_38], %swap3A_41 {strides = array<i32>} : memref<64xi32, #tpu.memory_space<vmem>>, vector<16xi32>,
      %get3A_42 = arith.constant 48 : index
      %get3A_43 = tpu.vector_load %arg7[%get3A_42] {strides = array<i32>} : memref<64xi32, #tpu.memory_space<vmem>>, vector<16xi32>,
      %get3A_44 = vector.shape_cast %get3A_43 : vector<16xi32> to vector<16xi32>
      %mul3A_45 = arith.constant 1024 : i32
      %mul3A_46 = vector.broadcast %mul3A_45 : i32 to vector<16xi32>
      %mul3A_47 = arith.muli %get3A_44, %mul3A_46 : vector<16xi32>
      %get3A_48 = arith.constant 48 : index
      %get3A_49 = tpu.vector_load %arg8[%get3A_48] {strides = array<i32>} : memref<64xi32, #tpu.memory_space<vmem>>, vector<16xi32>,
      %get3A_50 = vector.shape_cast %get3A_49 : vector<16xi32> to vector<16xi32>
      %add3A_51 = arith.addi %mul3A_47, %get3A_50 : vector<16xi32>
      %swap3A_52 = arith.constant 48 : index
      %swap3A_53 = tpu.vector_load %arg9[%swap3A_52] {strides = array<i32>} : memref<64xi32, #tpu.memory_space<vmem>>, vector<16xi32>,
      %swap3A_54 = vector.shape_cast %swap3A_53 : vector<16xi32> to vector<16xi32>
      %swap3A_55 = vector.shape_cast %add3A_51 : vector<16xi32> to vector<16xi32>
      tpu.vector_store %arg9[%swap3A_52], %swap3A_55 {strides = array<i32>} : memref<64xi32, #tpu.memory_space<vmem>>, vector<16xi32>,
      %dma_start3A = arith.constant 0 : i32
      %dma_start3A_56 = tpu.memref_slice %arg5[%dma_start3A] : memref<4194304xf32, #tpu.memory_space<hbm>> -> memref<4194304xf32, #tpu.memory_space<hbm>>
      tpu.enqueue_indirect_dma source(%dma_start3A_56 : memref<4194304xf32, #tpu.memory_space<hbm>>) target(%arg10 : memref<64xf32, #tpu.memory_space<vmem>>) offsets(%arg9 : memref<64xi32, #tpu.memory_space<vmem>>) semaphore(%arg12 : memref<!tpu.dma_semaphore, #tpu.memory_space<semaphore_mem>>)
      %dma_wait3A = arith.constant 0 : i32
      %dma_wait3A_57 = tpu.memref_slice %arg5[%dma_wait3A] : memref<4194304xf32, #tpu.memory_space<hbm>> -> memref<4194304xf32, #tpu.memory_space<hbm>>
      tpu.wait_indirect_dma semaphore(%arg12 : memref<!tpu.dma_semaphore, #tpu.memory_space<semaphore_mem>>) src(%dma_wait3A_57 : memref<4194304xf32, #tpu.memory_space<hbm>>) dst(%arg10 : memref<64xf32, #tpu.memory_space<vmem>>)
      %get3A_58 = arith.constant 0 : index
      %get3A_59 = tpu.vector_load %arg10[%get3A_58] {strides = array<i32>} : memref<64xf32, #tpu.memory_space<vmem>>, vector<16xf32>,
      %get3A_60 = vector.shape_cast %get3A_59 : vector<16xf32> to vector<16xf32>
      %get3A_61 = arith.constant 0 : index
      %get3A_62 = tpu.vector_load %arg11[%get3A_61] {strides = array<i32>} : memref<64xf32, #tpu.memory_space<vmem>>, vector<16xf32>,
      %get3A_63 = vector.shape_cast %get3A_62 : vector<16xf32> to vector<16xf32>
      %add3A_64 = arith.addf %get3A_60, %get3A_63 : vector<16xf32>
      %swap3A_65 = arith.constant 0 : index
      %swap3A_66 = tpu.vector_load %arg10[%swap3A_65] {strides = array<i32>} : memref<64xf32, #tpu.memory_space<vmem>>, vector<16xf32>,
      %swap3A_67 = vector.shape_cast %swap3A_66 : vector<16xf32> to vector<16xf32>
      %swap3A_68 = vector.shape_cast %add3A_64 : vector<16xf32> to vector<16xf32>
      tpu.vector_store %arg10[%swap3A_65], %swap3A_68 {strides = array<i32>} : memref<64xf32, #tpu.memory_space<vmem>>, vector<16xf32>,
      %get3A_69 = arith.constant 16 : index
      %get3A_70 = tpu.vector_load %arg10[%get3A_69] {strides = array<i32>} : memref<64xf32, #tpu.memory_space<vmem>>, vector<16xf32>,
      %get3A_71 = vector.shape_cast %get3A_70 : vector<16xf32> to vector<16xf32>
      %get3A_72 = arith.constant 16 : index
      %get3A_73 = tpu.vector_load %arg11[%get3A_72] {strides = array<i32>} : memref<64xf32, #tpu.memory_space<vmem>>, vector<16xf32>,
      %get3A_74 = vector.shape_cast %get3A_73 : vector<16xf32> to vector<16xf32>
      %add3A_75 = arith.addf %get3A_71, %get3A_74 : vector<16xf32>
      %swap3A_76 = arith.constant 16 : index
      %swap3A_77 = tpu.vector_load %arg10[%swap3A_76] {strides = array<i32>} : memref<64xf32, #tpu.memory_space<vmem>>, vector<16xf32>,
      %swap3A_78 = vector.shape_cast %swap3A_77 : vector<16xf32> to vector<16xf32>
      %swap3A_79 = vector.shape_cast %add3A_75 : vector<16xf32> to vector<16xf32>
      tpu.vector_store %arg10[%swap3A_76], %swap3A_79 {strides = array<i32>} : memref<64xf32, #tpu.memory_space<vmem>>, vector<16xf32>,
      %get3A_80 = arith.constant 32 : index
      %get3A_81 = tpu.vector_load %arg10[%get3A_80] {strides = array<i32>} : memref<64xf32, #tpu.memory_space<vmem>>, vector<16xf32>,
      %get3A_82 = vector.shape_cast %get3A_81 : vector<16xf32> to vector<16xf32>
      %get3A_83 = arith.constant 32 : index
      %get3A_84 = tpu.vector_load %arg11[%get3A_83] {strides = array<i32>} : memref<64xf32, #tpu.memory_space<vmem>>, vector<16xf32>,
      %get3A_85 = vector.shape_cast %get3A_84 : vector<16xf32> to vector<16xf32>
      %add3A_86 = arith.addf %get3A_82, %get3A_85 : vector<16xf32>
      %swap3A_87 = arith.constant 32 : index
      %swap3A_88 = tpu.vector_load %arg10[%swap3A_87] {strides = array<i32>} : memref<64xf32, #tpu.memory_space<vmem>>, vector<16xf32>,
      %swap3A_89 = vector.shape_cast %swap3A_88 : vector<16xf32> to vector<16xf32>
      %swap3A_90 = vector.shape_cast %add3A_86 : vector<16xf32> to vector<16xf32>
      tpu.vector_store %arg10[%swap3A_87], %swap3A_90 {strides = array<i32>} : memref<64xf32, #tpu.memory_space<vmem>>, vector<16xf32>,
      %get3A_91 = arith.constant 48 : index
      %get3A_92 = tpu.vector_load %arg10[%get3A_91] {strides = array<i32>} : memref<64xf32, #tpu.memory_space<vmem>>, vector<16xf32>,
      %get3A_93 = vector.shape_cast %get3A_92 : vector<16xf32> to vector<16xf32>
      %get3A_94 = arith.constant 48 : index
      %get3A_95 = tpu.vector_load %arg11[%get3A_94] {strides = array<i32>} : memref<64xf32, #tpu.memory_space<vmem>>, vector<16xf32>,
      %get3A_96 = vector.shape_cast %get3A_95 : vector<16xf32> to vector<16xf32>
      %add3A_97 = arith.addf %get3A_93, %get3A_96 : vector<16xf32>
      %swap3A_98 = arith.constant 48 : index
      %swap3A_99 = tpu.vector_load %arg10[%swap3A_98] {strides = array<i32>} : memref<64xf32, #tpu.memory_space<vmem>>, vector<16xf32>,
      %swap3A_100 = vector.shape_cast %swap3A_99 : vector<16xf32> to vector<16xf32>
      %swap3A_101 = vector.shape_cast %add3A_97 : vector<16xf32> to vector<16xf32>
      tpu.vector_store %arg10[%swap3A_98], %swap3A_101 {strides = array<i32>} : memref<64xf32, #tpu.memory_space<vmem>>, vector<16xf32>,
      %dma_start3A_102 = arith.constant 0 : i32
      %dma_start3A_103 = tpu.memref_slice %arg5[%dma_start3A_102] : memref<4194304xf32, #tpu.memory_space<hbm>> -> memref<4194304xf32, #tpu.memory_space<hbm>>
      tpu.enqueue_indirect_dma source(%arg10 : memref<64xf32, #tpu.memory_space<vmem>>) target(%dma_start3A_103 : memref<4194304xf32, #tpu.memory_space<hbm>>) offsets(%arg9 : memref<64xi32, #tpu.memory_space<vmem>>) semaphore(%arg12 : memref<!tpu.dma_semaphore, #tpu.memory_space<semaphore_mem>>)
      %dma_wait3A_104 = arith.constant 0 : i32
      %dma_wait3A_105 = tpu.memref_slice %arg5[%dma_wait3A_104] : memref<4194304xf32, #tpu.memory_space<hbm>> -> memref<4194304xf32, #tpu.memory_space<hbm>>
      tpu.wait_indirect_dma semaphore(%arg12 : memref<!tpu.dma_semaphore, #tpu.memory_space<semaphore_mem>>) src(%arg10 : memref<64xf32, #tpu.memory_space<vmem>>) dst(%dma_wait3A_105 : memref<4194304xf32, #tpu.memory_space<hbm>>)
    } else {
    }
    return
  }
}

</mosaic_0001>

<sc_bundles>
// kernel: kernel.3.cloned.1.call-start
scs
__scs_entry_jumppad:
0x0: {  	(pc) =	sbr.rel $0x88, $3  }
0x1: {  	(tag) =	ssettag $0x0;
	lr =	simm.s32 $0x1  }
0x2: {  	[smem:$0x3F9D] =	sst lr;
	_ =	strace $0xD0000000  }
0x3: {  	_ = 	snop  }
0x4: {  	_ = 	snop  }
0x5: {  	_ = 	snop  }
0x6: {  	_ = 	snop  }
0x7: {  	_ = 	snop  }
__scs_overlays_trampoline_lowered:
0x8: {  	[smem:$0x3FAC] =	sst s0  }
0x9: {  	[smem:$0x3FAD] =	sst s1  }
0xa: {  	[smem:$0x3FAE] =	sst s2  }
0xb: {  	[smem:$0x3FAF] =	sst s3  }
0xc: {  	[smem:$0x3FB0] =	sst s4  }
0xd: {  	[smem:$0x3FB1] =	sst s5  }
0xe: {  	[smem:$0x3FB2] =	sst s6  }
0xf: {  	[smem:$0x3FB3] =	sst s7  }
0x10: {  	[smem:$0x3FB4] =	sst s8  }
0x11: {  	[smem:$0x3FB5] =	sst s9;
	s0 =	simm.s32 @!p0 $0x0  }
0x12: {  	s1 =	sld [smem:$0x3F9B];
	s0 =	simm.s32 @p0 $0x1  }
0x13: {  	[smem:$0x3FB6] =	sst s0;
	s0 =	simm.s32 @!p1 $0x0  }
0x14: {  	s2 =	sld [smem:$0x3F9A];
	s0 =	simm.s32 @p1 $0x1  }
0x15: {  	[smem:$0x3FB7] =	sst s0;
	s0 =	simm.s32 @!p2 $0x0  }
0x16: {  	s3 =	sld [smem:$0x3FDB];
	s0 =	simm.s32 @p2 $0x1  }
0x17: {  	s4 =	simm.s32 $0x1BF5;
	[smem:$0x3FB9] =	sst s0  }
0x18: {  	s0 =	sld [smem:$0x3F9C];
	_ =	swait.ge [sflag:s4], $0x0  }
0x19: {  	s7 =	sld [smem:$0x3F9D]  }
0x1a: {  	s8 =	sadd.s32 $0xFFFFE003, lr  }
0x1b: {  	s9 =	sadd.s32 $0xFFFFFEF7, lr;
	s5 =	simm.s32 $0xFFFFFFFF;
	p2 =	slt.u32 s8, $0xFFFFF086  }
0x1c: {  	p1 =	slt.u32 s9, $0xF7A;
	s5 =	simm.s32 @!p2 $0x0  }
0x1d: {  	s5 =	simm.s32 @p1 $0x1;
	p0 =	seq.s32 s7, s2  }
0x1e: {  	s7 =	smul.u32 @!p0 $0xF7A, s2;
	p2 =	seq.s32 @!p0 s5, $0x0  }
0x1f: {  	s9 =	smul.u32 $0xF7A, s1;
	s8 =	simm.s32 @!p0 $0x1BF5;
	p2 =	por !p2, p0  }
0x20: {  	[sflag:s8] =	ssyncset.s32 @!p0 $0xFFFFF086;
	s6 =	sadd.s32 @!p0 s3, s7;
	s7 =	simm.s32 @!p0 $0x108  }
0x21: {  	s3 =	sadd.s32 s3, s9;
	s6 =	sadd.s32 @!p0 $0x88, s6;
	s7 =	simm.s32 @p2 $0x1082  }
0x22: {  	[simem:s7], [sflag:s8] =	dma.local @!p0 [hbm:s6], $0xF7A  }
0x23: {  	s9 =	sor.u32 $0xD0000000, s2;
	s6 =	simm.s32 $0x108;
	_ =	swait.ge @!p0 [sflag:s8], $0x0  }
0x24: {  	s3 =	sadd.s32 $0x88, s3;
	s6 =	simm.s32 @!p1 $0x1082;
	[sflag:s4] =	ssyncset.s32 $0xFFFFF086  }
0x25: {  	[simem:s6], [sflag:s4] =	dma.local [hbm:s3], $0xF7A  }
0x26: {  	[smem:$0x3F9D] =	sst s1;
	(tag) =	ssettag s2;
	_ =	strace s9  }
0x27: {  	s1 =	sld [smem:$0x3FAD]  }
0x28: {  	s2 =	sld [smem:$0x3FAE]  }
0x29: {  	s4 =	sld [smem:$0x3FB0]  }
0x2a: {  	p0 =	seq.s32 s5, $0x0;
	s5 =	sld [smem:$0x3FB1]  }
0x2b: {  	s6 =	sld [smem:$0x3FB2]  }
0x2c: {  	s7 =	sld [smem:$0x3FB3]  }
0x2d: {  	s3 =	simm.s32 $0x108;
	s8 =	sld [smem:$0x3FB4]  }
0x2e: {  	s3 =	simm.s32 @!p0 $0x1082;
	s9 =	sld [smem:$0x3FB5]  }
0x2f: {  	lr =	sadd.s32 s0, s3;
	s0 =	sld [smem:$0x3FAC]  }
0x30: {  	s3 =	sld [smem:$0x3FAF]  }
0x31: {  	[smem:$0x3FB8] =	sst s10  }
0x32: {  	s10 =	sld [smem:$0x3FB6];
	_ =	sdelay $0x3  }
0x33: {  	p0 =	seq.s32 s10, $0x1;
	s10 =	sld [smem:$0x3FB8];
	_ =	sdelay $0x3  }
0x34: {  	[smem:$0x3FB8] =	sst s10  }
0x35: {  	s10 =	sld [smem:$0x3FB7];
	_ =	sdelay $0x3  }
0x36: {  	p1 =	seq.s32 s10, $0x1;
	s10 =	sld [smem:$0x3FB8];
	_ =	sdelay $0x3  }
0x37: {  	[smem:$0x3FB8] =	sst s10  }
0x38: {  	s10 =	sld [smem:$0x3FB9]  }
0x39: {  	_ = 	snop;
	(pc) =	sbr.ind lr, $3  }
0x3a: {  	_ = 	snop  }
0x3b: {  	_ = 	snop  }
0x3c: {  	p2 =	seq.s32 s10, $0x1;
	s10 =	sld [smem:$0x3FB8]  }
0x3d: {  	_ =	shalt  }
0x3e: {  	_ =	shalt  }
0x3f: {  	_ =	shalt  }
0x40: {  	_ =	shalt  }
0x41: {  	_ =	shalt  }
0x42: {  	_ =	shalt  }
0x43: {  	_ =	shalt  }
0x44: {  	_ =	shalt  }
0x45: {  	_ =	shalt  }
0x46: {  	_ =	shalt  }
0x47: {  	_ =	shalt  }
0x48: {  	_ =	shalt  }
0x49: {  	_ =	shalt  }
0x4a: {  	_ =	shalt  }
0x4b: {  	_ =	shalt  }
0x4c: {  	_ =	shalt  }
0x4d: {  	_ =	shalt  }
0x4e: {  	_ =	shalt  }
0x4f: {  	_ =	shalt  }
0x50: {  	_ =	shalt  }
0x51: {  	_ =	shalt  }
0x52: {  	_ =	shalt  }
0x53: {  	_ =	shalt  }
0x54: {  	_ =	shalt  }
0x55: {  	_ =	shalt  }
0x56: {  	_ =	shalt  }
0x57: {  	_ =	shalt  }
0x58: {  	_ =	shalt  }
0x59: {  	_ =	shalt  }
0x5a: {  	_ =	shalt  }
0x5b: {  	_ =	shalt  }
0x5c: {  	_ =	shalt  }
0x5d: {  	_ =	shalt  }
0x5e: {  	_ =	shalt  }
0x5f: {  	_ =	shalt  }
0x60: {  	_ =	shalt  }
0x61: {  	_ =	shalt  }
0x62: {  	_ =	shalt  }
0x63: {  	_ =	shalt  }
0x64: {  	_ =	shalt  }
0x65: {  	_ =	shalt  }
0x66: {  	_ =	shalt  }
0x67: {  	_ =	shalt  }
0x68: {  	_ =	shalt  }
0x69: {  	_ =	shalt  }
0x6a: {  	_ =	shalt  }
0x6b: {  	_ =	shalt  }
0x6c: {  	_ =	shalt  }
0x6d: {  	_ =	shalt  }
0x6e: {  	_ =	shalt  }
0x6f: {  	_ =	shalt  }
0x70: {  	_ =	shalt  }
0x71: {  	_ =	shalt  }
0x72: {  	_ =	shalt  }
0x73: {  	_ =	shalt  }
0x74: {  	_ =	shalt  }
0x75: {  	_ =	shalt  }
0x76: {  	_ =	shalt  }
0x77: {  	_ =	shalt  }
0x78: {  	_ =	shalt  }
0x79: {  	_ =	shalt  }
0x7a: {  	_ =	shalt  }
0x7b: {  	_ =	shalt  }
0x7c: {  	_ =	shalt  }
0x7d: {  	_ =	shalt  }
0x7e: {  	_ =	shalt  }
0x7f: {  	_ =	shalt  }
0x80: {  	_ =	shalt  }
0x81: {  	_ =	shalt  }
0x82: {  	_ =	shalt  }
0x83: {  	_ =	shalt  }
0x84: {  	_ =	shalt  }
0x85: {  	_ =	shalt  }
0x86: {  	_ =	shalt  }
0x87: {  	_ =	shalt  }
.Lfunc_end0:
.L_simem_size_0:
called_computation_lowered:
.L_overlay_start_0:
0x88: {  	s2 =	sld [smem:$0x3FD9]  }
0x89: {  	s3 =	sld [smem:$0x3FFE];
	_ =	sdelay $0x1  }
0x8a: {  	s1 =	srdreg.scid  }
0x8b: {  	s0 =	sand.u32 $0x1, s1  }
0x8c: {  	s17 =	sshll.u32 s0, $0xA;
	s2 =	sadd.s32 s3, s2  }
0x8d: {  	s2 =	sadd.s32 s2, s17  }
0x8e: {  	[smem:$0x3FC4] =	sst s2  }
0x8f: {  	_ = 	snop  }
0x90: {  	s2 =	sld [smem:$0x3FC8]  }
0x91: {  	s18 =	sld [smem:$0x3FC7]  }
0x92: {  	s4 =	sld [smem:$0x3FC6];
	(tm) =	ssettm $0x1  }
0x93: {  	s5 =	sld [smem:$0x3FFB];
	_ =	sdelay $0x3  }
0x94: {  	_ =	strace s5  }
0x95: {  	s5 =	sld [smem:$0x3FFC];
	_ =	sdelay $0x3  }
0x96: {  	_ =	strace s5  }
0x97: {  	s5 =	sld [smem:$0x3FFD];
	_ =	sdelay $0x3  }
0x98: {  	_ =	strace s5  }
0x99: {  	_ =	strace $0x8FFFFFFF  }
0x9a: {  	s19 =	sld [smem:$0x3FDB];
	_ =	sdelay $0x1  }
0x9b: {  	s6 =	simm.s32 $_scs_section_size  }
0x9c: {  	s7 =	simm.s32 $_size__tile_overlayer_lowered;
	s8 =	simm.s32 $_tile_overlayer_lowered  }
0x9d: {  	s22 =	simm.s32 $0x1BFF;
	s21 =	sshll.u32 s8, $0x1;
	s5 =	sadd.s32 s6, s19  }
0x9e: {  	s9 =	simm.s32 $0x0;
	s20 =	sshll.u32 s7, $0x1;
	s7 =	sadd.s32 s21, s5  }
0x9f: {  	[timem:s9], [sflag:s22] =	dma.local [hbm:s7], s20  }
0xa0: {  	_ =	swait.ge [sflag:s22], s20  }
0xa1: {  	s6 =	ssub.s32 $0x0, s20;
	[sflag:s22] =	ssyncset.done $0x0  }
0xa2: {  	[sflag:s22] =	ssyncadd.s32 s6;
	_ =	sdelay $0x1  }
0xa3: {  	s23 =	simm.s32 $0x1B8B  }
0xa4: {  	_ =	swait.ge [sflag:s23], $0x1  }
0xa5: {  	[sflag:s23] =	ssyncset.done $0x0  }
0xa6: {  	s25 =	simm.s32 $0x1B8E;
	s24 =	sld [smem:$0x3FFE];
	[sflag:s23] =	ssyncadd.s32 $0xFFFFFFFF  }
0xa7: {  	s26 =	simm.s32 $execute0_lowered;
	[smem:$0x3FD2] =	sst s25  }
0xa8: {  	s7 =	sshll.u32 s26, $0x1;
	_ =	strace $0x80000046;
	[dreg:$0x1] =	wrdreg $0xFFFFFFFF  }
0xa9: {  	s28 =	simm.s32 $_size_execute0_lowered;
	s5 =	sadd.s32 s5, s7;
	[dreg:$0x0] =	wrdreg $0x0  }
0xaa: {  	s7 =	sshll.u32 s28, $0x1;
	[dreg:$0x2] =	wrdreg s5  }
0xab: {  	[dreg:$0x3] =	wrdreg s7  }
0xac: {  	[dreg:$0x4] =	wrdreg $0xC0  }
0xad: {  	_ =	task [dreg:s9], $0x5FFFF  }
0xae: {  	[dreg:$0x1] =	wrdreg $0xFFFFFFFF  }
0xaf: {  	[dreg:$0x0] =	wrdreg $0x60  }
0xb0: {  	[dreg:$0x2] =	wrdreg s2  }
0xb1: {  	[dreg:$0x3] =	wrdreg s18  }
0xb2: {  	[dreg:$0x4] =	wrdreg s4  }
0xb3: {  	[dreg:$0x5] =	wrdreg s24  }
0xb4: {  	[dreg:$0x6] =	wrdreg $0x9  }
0xb5: {  	_ =	task.clear_ibuf [dreg:s9], $0x7FFFF;
	_ =	strace $0x90000046  }
0xb6: {  	s29 =	simm.s32 $0x9;
	_ =	strace $0x80000048  }
0xb7: {  	_ =	swait.ge [sflag:s29], $0x1  }
0xb8: {  	[sflag:s29] =	ssyncadd.s32 $0xFFFFFFFF  }
0xb9: {  	_ =	strace $0x90000048  }
0xba: {  	_ =	sfence  }
0xbb: {  	s30 =	sld [smem:$0x0];
	_ =	sdelay $0x2  }
0xbc: {  	s31 =	sshll.u32 s1, $0xD;
	s1 =	sshrl.u32 s1, $0x2  }
0xbd: {  	s3 =	sand.u32 $0x4000, s31;
	s1 =	sadd.s32 s1, s30  }
0xbe: {  	s0 =	sor.u32 s3, s0;
	s1 =	sshll.u32 s1, $0x11  }
0xbf: {  	s0 =	sor.u32 s1, s0  }
0xc0: {  	s0 =	sadd.s32 $0x8F2B, s0  }
0xc1: {  	[sflag:s0] =	ssyncadd.remote.s32 $0x1  }
0xc2: {  	_ =	sfence.sel $0xFFFF  }
0xc3: {  	[dreg:$0x0] =	wrdreg $0xFFFFFFFF;
	(pc) =	sbr.abs _section_cstart, $3  }
0xc4: {  	[dreg:$0x1] =	wrdreg $0xFFFFFFFF  }
0xc5: {  	_ =	task.clear_ibuf [dreg:s9], $0x2FFFF;
	_ =	strace $0x9FFFFFFF  }
0xc6: {  	(tm) =	ssettm $0x7FFFFFFF  }
0xc7: {  	_ =	shalt  }
tec
execute0_lowered:
.L_overlay_start_1:
0x0: {  	(tag) =	ssettag $0x1  }
0x1: {  	s0 =	srdreg.scid  }
0x2: {  	s14 =	sand.u32 $0x1, s0;
	s0 =	stileid.u32  }
0x3: {  	s5 =	sor.u32 s0, s14  }
0x4: {  	p0 =	sne.s32 s5, $0x0  }
.Ltmp0:
0x5: {  	s2 =	rddreg [dreg:$0x0];
	(pc) =	sbr.rel @p0 .LBB2_4-.Ltmp0, $4  }
0x6: {  	s3 =	rddreg [dreg:$0x1]  }
0x7: {  	s4 =	rddreg [dreg:$0x2]  }
0x8: {  	s9 =	rddreg [dreg:$0x3]  }
0x9: {  	s1 =	rddreg [dreg:$0x4];
	_ =	strace $0x80000047  }
0xa: {  	s5 =	simm.s32 $0x0;
	s6 =	simm.s32 $0x2  }
0xb: {  	[tilespmem:s5], [sflag:$0x2] =	stream.linear.gather [hbm4b:s3+s5], $0x80, $0x38;
	[tilespmem:$0x280] =	vst v63  }
0xc: {  	_ =	swait.ge [sflag:s6], $0x80  }
0xd: {  	[sflag:s6] =	ssyncset.done $0x0  }
0xe: {  	s7 =	simm.s32 $0x80;
	[sflag:s6] =	ssyncadd.s32 $0xFFFFFF80  }
0xf: {  	[tilespmem:s7], [sflag:$0x2] =	stream.linear.gather [hbm4b:s4+s5], $0x80, $0x38;
	[tilespmem:$0x280] =	vst v63  }
0x10: {  	_ =	swait.ge [sflag:s6], $0x80  }
0x11: {  	[sflag:s6] =	ssyncset.done $0x0  }
0x12: {  	s8 =	simm.s32 $0x200;
	[sflag:s6] =	ssyncadd.s32 $0xFFFFFF80  }
0x13: {  	[tilespmem:s8], [sflag:$0x2] =	stream.linear.gather [hbm4b:s2+s5], $0x80, $0x38;
	[tilespmem:$0x280] =	vst v63  }
0x14: {  	_ =	swait.ge [sflag:s6], $0x80  }
0x15: {  	[sflag:s6] =	ssyncset.done $0x0  }
0x16: {  	[sflag:s6] =	ssyncadd.s32 $0xFFFFFF80  }
0x17: {  	v0 =	vld [tilespmem:$0xA0]  }
0x18: {  	v1 =	vld [tilespmem:$0x80]  }
0x19: {  	v2 =	vld [tilespmem:$0xB0]  }
0x1a: {  	v3 =	vld [tilespmem:$0x20]  }
0x1b: {  	v5 =	vld [tilespmem:$0x0]  }
0x1c: {  	v4 =	vld [tilespmem:$0x30]  }
0x1d: {  	v6 =	vld [tilespmem:$0x10]  }
0x1e: {  	v7 =	vld [tilespmem:$0x90]  }
0x1f: {  	v3 =	vshll.u32 v3, $0xA  }
0x20: {  	v63 =	vshll.u32 v5, $0xA;
	v0 =	vadd.s32 v0, v3  }
0x21: {  	v3 =	vshll.u32 v4, $0xA;
	v1 =	vadd.s32 v1, v63;
	[tilespmem:$0x120] =	vst v0  }
0x22: {  	s9 =	sadd.s32 $0x400, s9;
	s14 =	ssub.s32 $0x2, s14;
	v0 =	vadd.s32 v2, v3;
	v2 =	vshll.u32 v6, $0xA;
	[tilespmem:$0x100] =	vst v1  }
0x23: {  	s10 =	simm.s32 $0x40;
	s12 =	simm.s32 $0x100;
	s15 =	sshrl.u32 s14, $0x1;
	[tilespmem:$0x130] =	vst v0;
	v0 =	vadd.s32 v7, v2  }
0x24: {  	s13 =	simm.s32 $0x180;
	s11 =	simm.s32 $0x1;
	s14 =	ssub.s32 s14, s15;
	[tilespmem:$0x110] =	vst v0  }
0x25: {  	[tilespmem:s13], [sflag:$0x1] =	stream.indirect.gather [hbm4b:s9+s10], $0x1, s12, s10, $0xb8;
	[tilespmem:$0x280] =	vst v63  }
0x26: {  	p0 =	sne.s32 s14, $0x1;
	_ =	swait.ge [sflag:s11], $0x40  }
.Ltmp1:
0x27: {  	[sflag:s11] =	ssyncset.done $0x0;
	(pc) =	sbr.rel @!p0 .LBB2_3-.Ltmp1, $4  }
0x28: {  	[sflag:s11] =	ssyncadd.s32 $0xFFFFFFC0  }
0x29: {  	v1 =	vld [tilespmem:$0x230]  }
0x2a: {  	v0 =	vld [tilespmem:$0x180]  }
0x2b: {  	s14 =	sadd.s32 $0xFFFFFFFF, s14;
	v2 =	vld [tilespmem:$0x1B0]  }
.LBB2_2:
0x2c: {  	p0 =	sne.s32 s14, $0x1;
	s14 =	sadd.s32 $0xFFFFFFFF, s14;
	v3 =	vld [tilespmem:$0x190]  }
0x2d: {  	v4 =	vld [tilespmem:$0x220]  }
0x2e: {  	v5 =	vld [tilespmem:$0x1A0]  }
0x2f: {  	v6 =	vld [tilespmem:$0x200]  }
0x30: {  	v7 =	vld [tilespmem:$0x210];
	v1 =	vadd.f32 v1, v2;
	_ =	sdelay $0x1  }
0x31: {  	[tilespmem:$0x1B0] =	vst v1  }
0x32: {  	v1 =	vadd.f32 v4, v5  }
0x33: {  	v0 =	vadd.f32 v6, v0  }
0x34: {  	v2 =	vadd.f32 v7, v3;
	[tilespmem:$0x1A0] =	vst v1  }
0x35: {  	[tilespmem:$0x180] =	vst v0  }
0x36: {  	[tilespmem:$0x190] =	vst v2  }
0x37: {  	[hbm4b:s9+s10] =	stream.indirect.scatter [tilespmem:s13], [sflag:$0x1], $0x1, s12, s10, $0xb8;
	[tilespmem:$0x280] =	vst v63  }
0x38: {  	_ =	swait.ge [sflag:s11], $0x40  }
0x39: {  	[sflag:s11] =	ssyncset.done $0x0  }
0x3a: {  	[sflag:s11] =	ssyncadd.s32 $0xFFFFFFC0  }
0x3b: {  	[tilespmem:s5], [sflag:$0x2] =	stream.linear.gather [hbm4b:s3+s5], $0x80, $0x38;
	[tilespmem:$0x280] =	vst v63  }
0x3c: {  	_ =	swait.ge [sflag:s6], $0x80  }
0x3d: {  	[sflag:s6] =	ssyncset.done $0x0  }
0x3e: {  	[sflag:s6] =	ssyncadd.s32 $0xFFFFFF80  }
0x3f: {  	[tilespmem:s7], [sflag:$0x2] =	stream.linear.gather [hbm4b:s4+s5], $0x80, $0x38;
	[tilespmem:$0x280] =	vst v63  }
0x40: {  	_ =	swait.ge [sflag:s6], $0x80  }
0x41: {  	[sflag:s6] =	ssyncset.done $0x0  }
0x42: {  	[sflag:s6] =	ssyncadd.s32 $0xFFFFFF80  }
0x43: {  	[tilespmem:s8], [sflag:$0x2] =	stream.linear.gather [hbm4b:s2+s5], $0x80, $0x38;
	[tilespmem:$0x280] =	vst v63  }
0x44: {  	_ =	swait.ge [sflag:s6], $0x80  }
0x45: {  	[sflag:s6] =	ssyncset.done $0x0  }
0x46: {  	[sflag:s6] =	ssyncadd.s32 $0xFFFFFF80  }
0x47: {  	v0 =	vld [tilespmem:$0xA0]  }
0x48: {  	v1 =	vld [tilespmem:$0x80]  }
0x49: {  	v2 =	vld [tilespmem:$0xB0]  }
0x4a: {  	v3 =	vld [tilespmem:$0x20]  }
0x4b: {  	v4 =	vld [tilespmem:$0x30]  }
0x4c: {  	v5 =	vld [tilespmem:$0x0]  }
0x4d: {  	v6 =	vld [tilespmem:$0x10]  }
0x4e: {  	v7 =	vld [tilespmem:$0x90]  }
0x4f: {  	v3 =	vshll.u32 v3, $0xA  }
0x50: {  	v0 =	vadd.s32 v0, v3;
	v3 =	vshll.u32 v4, $0xA  }
0x51: {  	v4 =	vshll.u32 v5, $0xA;
	[tilespmem:$0x120] =	vst v0;
	v0 =	vadd.s32 v2, v3  }
0x52: {  	v1 =	vadd.s32 v1, v4;
	v2 =	vshll.u32 v6, $0xA;
	[tilespmem:$0x130] =	vst v0  }
0x53: {  	[tilespmem:$0x100] =	vst v1;
	v0 =	vadd.s32 v7, v2  }
0x54: {  	[tilespmem:$0x110] =	vst v0  }
0x55: {  	[tilespmem:s13], [sflag:$0x1] =	stream.indirect.gather [hbm4b:s9+s10], $0x1, s12, s10, $0xb8;
	[tilespmem:$0x280] =	vst v63  }
0x56: {  	_ =	swait.ge [sflag:s11], $0x40  }
.Ltmp2:
0x57: {  	[sflag:s11] =	ssyncset.done $0x0;
	(pc) =	sbr.rel @p0 .LBB2_2-.Ltmp2, $4  }
0x58: {  	[sflag:s11] =	ssyncadd.s32 $0xFFFFFFC0  }
0x59: {  	v1 =	vld [tilespmem:$0x230]  }
0x5a: {  	v0 =	vld [tilespmem:$0x180]  }
0x5b: {  	v2 =	vld [tilespmem:$0x1B0]  }
.LBB2_3:
0x5c: {  	v3 =	vld [tilespmem:$0x190]  }
0x5d: {  	v4 =	vld [tilespmem:$0x220]  }
0x5e: {  	v5 =	vld [tilespmem:$0x1A0]  }
0x5f: {  	v6 =	vld [tilespmem:$0x200]  }
0x60: {  	v7 =	vld [tilespmem:$0x210];
	_ =	sdelay $0x1  }
0x61: {  	v1 =	vadd.f32 v1, v2  }
0x62: {  	v62 =	vadd.f32 v4, v5  }
0x63: {  	v0 =	vadd.f32 v6, v0;
	[tilespmem:$0x1B0] =	vst v1  }
0x64: {  	v63 =	vadd.f32 v7, v3;
	[tilespmem:$0x1A0] =	vst v62  }
0x65: {  	[tilespmem:$0x180] =	vst v0  }
0x66: {  	[tilespmem:$0x190] =	vst v63  }
0x67: {  	[hbm4b:s9+s10] =	stream.indirect.scatter [tilespmem:s13], [sflag:$0x1], $0x1, s12, s10, $0xb8;
	[tilespmem:$0x280] =	vst v63  }
0x68: {  	_ =	swait.ge [sflag:s11], $0x40  }
0x69: {  	[sflag:s11] =	ssyncset.done $0x0  }
0x6a: {  	[sflag:s11] =	ssyncadd.s32 $0xFFFFFFC0  }
.LBB2_4:
0x6b: {  	_ =	sfence.sel $0x180000  }
0x6c: {  	[bflag:$0x0] =	sbarrier.arrive $0xFFFF  }
0x6d: {  	p0 =	sne.s32 s0, $0x0;
	_ =	strace $0x90000047  }
0x6e: {  	s0 =	sadd.s32 @!p0 $0x100000, s1;
	[bflag:$0x2] =	sbarrier.arrive $0xFFFF  }
0x6f: {  	[sflag:s0] =	ssyncadd.tile.s32 @!p0 $0x1;
	_ =	shalt  }
.Lfunc_end2:
_tile_overlayer_lowered:
.L_overlay_start_2:
0x70: {  	(tag) =	ssettag $0x2  }
0x71: {  	s0 =	rddreg [dreg:$0x0];
	s2 =	stileid.u32  }
0x72: {  	s1 =	rddreg [dreg:$0x1];
	p0 =	sne.s32 s2, $0x0  }
0x73: {  	s3 =	rddreg [dreg:$0x2];
	[bflag:$0x3] =	sbarrier.arrive $0xFFFF;
	s2 =	simm.s32 @!p0 $0x1C02  }
0x74: {  	[timem:s3], [sflag:s2] =	dma.local @!p0 [hbm:s0], s1  }
0x75: {  	s0 =	simm.s32 @!p0 $0x2  }
0x76: {  	_ =	swait.ge @!p0 [sflag:s0], s1  }
0x77: {  	s1 =	ssub.s32 @!p0 $0x0, s1;
	[sflag:s0] =	ssyncset.done @!p0 $0x0  }
0x78: {  	[sflag:s0] =	ssyncadd.s32 @!p0 s1  }
0x79: {  	[bflag:$0x3] =	sbarrier.arrive $0xFFFF  }
0x7a: {  	_ =	shalt  }

</sc_bundles>
